<compile_context>
chip_gen: v7x
topology: tpu7x:2x2x1
jax: 0.10.2.dev20260603
libtpu: 0.0.44.dev20260713+nightly
codegen_flags: <defaults>
</compile_context>

<pallas_src>
import functools

import jax
import jax.numpy as jnp
from jax import lax
from jax.experimental import pallas as pl
from jax.experimental.pallas import tpu as pltpu
from jax.experimental.pallas import tpu_sc as plsc

_NC = 2
_NS = 16
_NW = _NC * _NS
_L = 16
_Z = (1, 6, 7, 8)


@functools.lru_cache(maxsize=None)
def _sc_kernel(B, A, B_sc):
    MPW = B_sc // _NW
    MB = 128
    NCH = MPW // MB
    NG = MB // _L
    UNROLL = 2
    NFULL = A // UNROLL
    mesh = plsc.VectorSubcoreMesh(core_axis_name="c", subcore_axis_name="s")

    @functools.partial(
        pl.kernel,
        mesh=mesh,
        out_type=jax.ShapeDtypeStruct((B_sc,), jnp.float32),
        compiler_params=pltpu.CompilerParams(
            needs_layout_passes=False,
            skip_device_barrier=True,
            disable_bounds_checks=True,
        ),
        scratch_types=[
            pltpu.VMEM((A, MB), jnp.int32),
            pltpu.VMEM((A, MB), jnp.int32),
            pltpu.VMEM((MPW,), jnp.float32),
            pltpu.VMEM((MPW,), jnp.float32),
            pltpu.VMEM((_L,), jnp.float32),
            pltpu.SemaphoreType.DMA,
            pltpu.SemaphoreType.DMA,
        ],
    )
    def k(sp_hbm, en_hbm, se_hbm, out_hbm, sp_a, sp_b, en_v, out_v, se_v,
          sem_a, sem_b):
        wid = lax.axis_index("s") * _NC + lax.axis_index("c")
        col0 = wid * MPW
        lanes = lax.iota(jnp.int32, _L)
        zero = jnp.zeros((_L,), jnp.float32)
        dnums = lax.GatherDimensionNumbers(
            offset_dims=(), collapsed_slice_dims=(0,), start_index_map=(0,))

        def vgather(vec, idx):
            return lax.gather(vec, idx[:, None], dnums, (1,),
                              mode=lax.GatherScatterMode.PROMISE_IN_BOUNDS)

        se_v[...] = zero
        pltpu.sync_copy(se_hbm, se_v.at[pl.ds(0, len(_Z))])
        nz = len(_Z)
        tmap = jnp.full((_L,), nz, jnp.int32)
        for i, z in enumerate(_Z):
            tmap = jnp.where(lanes == z, jnp.full((_L,), i, jnp.int32), tmap)
        tbl = vgather(se_v[...], tmap)

        pltpu.sync_copy(en_hbm.at[pl.ds(col0, MPW)], en_v)

        def lookup(z):
            zu = jnp.minimum(plsc.bitcast(z, jnp.uint32), jnp.uint32(_L - 1))
            return vgather(tbl, plsc.bitcast(zu, jnp.int32))

        def compute(sp_v, ci):
            def abody(i, accs):
                accs = list(accs)
                for u in range(UNROLL):
                    a = i * UNROLL + u
                    for m in range(NG):
                        accs[m] = accs[m] + lookup(sp_v[a, pl.ds(m * _L, _L)])
                return tuple(accs)

            accs = lax.fori_loop(0, NFULL, abody, (zero,) * NG)
            accs = list(accs)
            for a in range(NFULL * UNROLL, A):
                for m in range(NG):
                    accs[m] = accs[m] + lookup(sp_v[a, pl.ds(m * _L, _L)])
            base = ci * MB
            for m in range(NG):
                sl = pl.ds(base + m * _L, _L)
                out_v[sl] = en_v[sl] - accs[m]

        def sp_src(ci):
            return sp_hbm.at[:, pl.ds(col0 + ci * MB, MB)]

        bufs = ((sp_a, sem_a), (sp_b, sem_b))
        pltpu.async_copy(sp_src(0), sp_a, sem_a)
        for ci in range(NCH):
            buf, sem = bufs[ci % 2]
            if ci + 1 < NCH:
                nbuf, nsem = bufs[(ci + 1) % 2]
                pltpu.async_copy(sp_src(ci + 1), nbuf, nsem)
            pltpu.make_async_copy(sp_src(0), buf, sem).wait()
            compute(buf, ci)
        pltpu.sync_copy(out_v, out_hbm.at[pl.ds(col0, MPW)])

    return k


@functools.lru_cache(maxsize=None)
def _tc_kernel(B, A, B_sc, BC=4096):
    B_tc = B - B_sc
    off = B_sc // BC

    def body(se_ref, sp_ref, en_ref, out_ref):
        z = sp_ref[...]
        tot = jnp.float32(0.0)
        for i, zk in enumerate(_Z):
            tot = jnp.where(z == zk, se_ref[i], tot)
        out_ref[...] = en_ref[...] - jnp.sum(tot, axis=0)

    return pl.pallas_call(
        body,
        grid=(B_tc // BC,),
        in_specs=[
            pl.BlockSpec(memory_space=pltpu.SMEM),
            pl.BlockSpec((A, BC), lambda i: (0, off + i)),
            pl.BlockSpec((BC,), lambda i: (off + i,)),
        ],
        out_specs=pl.BlockSpec((BC,), lambda i: (off + i,)),
        out_shape=jax.ShapeDtypeStruct((B,), jnp.float32),
    )


def kernel(species, energies, self_energies):
    B, A = species.shape
    sp_t = jnp.asarray(species, jnp.int32).T
    en = jnp.asarray(energies, jnp.float32)
    se = jnp.asarray(self_energies, jnp.float32)
    B_sc = B // 4
    sc_out = _sc_kernel(B, A, B_sc)(sp_t, en, se)
    tc_out = _tc_kernel(B, A, B_sc)(se, sp_t, en)
    return lax.dynamic_update_slice(tc_out, sc_out, (0,))

# --- scband reference (transcript-rebuilt; emitter-appended) ---
"""Pipeline reference for scband-subtract-sae-51539607552274 (READ-ONLY COPY).

The authoritative reference and input builder live on the scoring server;
editing this copy changes nothing except your own understanding.
"""

import jax, jax.numpy as jnp
import numpy as np

# SubtractSAE from torchani: species (atomic numbers, -1/unsupported = padding) are
# converted to element indices via a conversion table, self atomic energies are
# gathered per atom, masked where unsupported, summed per molecule, and subtracted
# from the molecular energies.

_SUPPORTED_Z = [1, 6, 7, 8]  # H, C, N, O
_SELF_ENERGIES = [-0.600952980000, -38.08316124, -54.7077577, -75.194466356]


def _make_conv_tensor():
    conv = np.full(120, -1, dtype=np.int64)
    for i, z in enumerate(_SUPPORTED_Z):
        conv[z] = i
    return jnp.asarray(conv)


def setup_inputs(seed: int = 0) -> dict:
    key = jax.random.key(seed)
    k1, k2 = jax.random.split(key)
    batch, atoms = 16384, 200
    # atomic numbers in [0, 9); numbers not in {1,6,7,8} map to -1 (treated as padding)
    species = jax.random.randint(k1, (batch, atoms), 0, 9)
    energies = jax.random.normal(k2, (batch,), dtype=jnp.float32)
    self_energies = jnp.asarray(_SELF_ENERGIES, dtype=jnp.float32)
    return {"species": species, "energies": energies, "self_energies": self_energies}


def reference(species, energies, self_energies):
    conv = _make_conv_tensor()
    # gather 1: atomic number -> element index
    elem_idxs = jnp.take(conv, species, axis=0)
    pad_mask = elem_idxs == -1
    safe_idxs = jnp.where(pad_mask, 0, elem_idxs)
    # gather 2: element index -> self atomic energy
    sae = jnp.take(self_energies, safe_idxs, axis=0)
    sae = jnp.where(pad_mask, jnp.zeros((), dtype=sae.dtype), sae)
    # per-molecule reduce
    shift = sae.sum(axis=1)
    new_energies = energies - shift
    return new_energies

if __name__ == "__main__":
    import jax
    _d = setup_inputs()
    print(jax.jit(kernel)(*tuple(_d.values())))

</pallas_src>

<mosaic_0001>
#map = affine_map<(d0, d1) -> (0, 0)>
#map1 = affine_map<(d0, d1) -> (0)>
module attributes {stable_mosaic.version = 14 : i64} {
  func.func @k(%arg0: i32, %arg1: i32, %arg2: memref<200x16384xi32, #tpu.memory_space<hbm>>, %arg3: memref<16384xf32, #tpu.memory_space<hbm>>, %arg4: memref<4xf32, #tpu.memory_space<hbm>>, %arg5: memref<4096xf32, #tpu.memory_space<hbm>>, %arg6: memref<200x128xi32, #tpu.memory_space<vmem>>, %arg7: memref<200x128xi32, #tpu.memory_space<vmem>>, %arg8: memref<128xf32, #tpu.memory_space<vmem>>, %arg9: memref<128xf32, #tpu.memory_space<vmem>>, %arg10: memref<16xf32, #tpu.memory_space<vmem>>, %arg11: memref<!tpu.dma_semaphore, #tpu.memory_space<semaphore_mem>>, %arg12: memref<!tpu.dma_semaphore, #tpu.memory_space<semaphore_mem>>) attributes {dimension_semantics = [#tpu.dimension_semantics<core_parallel>, #tpu.dimension_semantics<subcore_parallel>], iteration_bounds = array<i64: 2, 16>, scalar_prefetch = 0 : i64, scratch_operands = 7 : i64, tpu.core_type = #tpu.core_type<sc_vector_subcore>, window_params = [{transform_indices = #map}, {transform_indices = #map1}, {transform_indices = #map1}, {transform_indices = #map1}]} {
    %mul3A = arith.constant 2 : i32
    %mul3A_0 = arith.muli %arg1, %mul3A : i32
    %add3A = arith.addi %mul3A_0, %arg0 : i32
    %mul3A_1 = arith.constant 128 : i32
    %mul3A_2 = arith.muli %add3A, %mul3A_1 : i32
    %iota3A = tpu.iota {dimensions = array<i32: 0>} : vector<16xi32>
    %broadcast_in_dim3A = arith.constant 0.000000e+00 : f32
    %broadcast_in_dim3A_3 = vector.broadcast %broadcast_in_dim3A : f32 to vector<16xf32>
    %swap3A = arith.constant 0 : index
    %swap3A_4 = tpu.vector_load %arg10[%swap3A] {strides = array<i32>} : memref<16xf32, #tpu.memory_space<vmem>>, vector<16xf32>,
    tpu.vector_store %arg10[%swap3A], %broadcast_in_dim3A_3 {strides = array<i32>} : memref<16xf32, #tpu.memory_space<vmem>>, vector<16xf32>,
    "tpu.region"() ({
      %run_scoped3A = tpu.sem_alloc : memref<!tpu.dma_semaphore, #tpu.memory_space<semaphore_mem>>
      %dma_start3A_86 = arith.constant 0 : i32
      %dma_start3A_87 = tpu.memref_slice %arg10[%dma_start3A_86] : memref<16xf32, #tpu.memory_space<vmem>> -> memref<4xf32, #tpu.memory_space<vmem>>
      %dma_start3A_88 = arith.constant 0 : i32
      %dma_start3A_89 = tpu.memref_slice %arg10[%dma_start3A_88] : memref<16xf32, #tpu.memory_space<vmem>> -> memref<4xf32, #tpu.memory_space<vmem>>
      tpu.enqueue_dma source(%arg4 : memref<4xf32, #tpu.memory_space<hbm>>) target(%dma_start3A_89 : memref<4xf32, #tpu.memory_space<vmem>>) target_semaphore(%run_scoped3A : memref<!tpu.dma_semaphore, #tpu.memory_space<semaphore_mem>>)
      %dma_wait3A_90 = arith.constant 0 : i32
      %dma_wait3A_91 = tpu.memref_slice %arg10[%dma_wait3A_90] : memref<16xf32, #tpu.memory_space<vmem>> -> memref<4xf32, #tpu.memory_space<vmem>>
      %dma_wait3A_92 = arith.constant 0 : i32
      %dma_wait3A_93 = tpu.memref_slice %arg10[%dma_wait3A_92] : memref<16xf32, #tpu.memory_space<vmem>> -> memref<4xf32, #tpu.memory_space<vmem>>
      tpu.wait_dma2 semaphore(%run_scoped3A : memref<!tpu.dma_semaphore, #tpu.memory_space<semaphore_mem>>) src(%arg4 : memref<4xf32, #tpu.memory_space<hbm>>) dst(%dma_wait3A_93 : memref<4xf32, #tpu.memory_space<vmem>>)
      tpu.yield
    }) : () -> ()
    %broadcast_in_dim3A_5 = arith.constant 4 : i32
    %broadcast_in_dim3A_6 = vector.broadcast %broadcast_in_dim3A_5 : i32 to vector<16xi32>
    %eq3A = arith.constant 1 : i32
    %eq3A_7 = vector.broadcast %eq3A : i32 to vector<16xi32>
    %eq3A_8 = arith.cmpi eq, %iota3A, %eq3A_7 : vector<16xi32>
    %broadcast_in_dim3A_9 = arith.constant 0 : i32
    %broadcast_in_dim3A_10 = vector.broadcast %broadcast_in_dim3A_9 : i32 to vector<16xi32>
    %select_n3A = arith.select %eq3A_8, %broadcast_in_dim3A_10, %broadcast_in_dim3A_6 : vector<16xi1>, vector<16xi32>
    %eq3A_11 = arith.constant 6 : i32
    %eq3A_12 = vector.broadcast %eq3A_11 : i32 to vector<16xi32>
    %eq3A_13 = arith.cmpi eq, %iota3A, %eq3A_12 : vector<16xi32>
    %broadcast_in_dim3A_14 = arith.constant 1 : i32
    %broadcast_in_dim3A_15 = vector.broadcast %broadcast_in_dim3A_14 : i32 to vector<16xi32>
    %select_n3A_16 = arith.select %eq3A_13, %broadcast_in_dim3A_15, %select_n3A : vector<16xi1>, vector<16xi32>
    %eq3A_17 = arith.constant 7 : i32
    %eq3A_18 = vector.broadcast %eq3A_17 : i32 to vector<16xi32>
    %eq3A_19 = arith.cmpi eq, %iota3A, %eq3A_18 : vector<16xi32>
    %broadcast_in_dim3A_20 = arith.constant 2 : i32
    %broadcast_in_dim3A_21 = vector.broadcast %broadcast_in_dim3A_20 : i32 to vector<16xi32>
    %select_n3A_22 = arith.select %eq3A_19, %broadcast_in_dim3A_21, %select_n3A_16 : vector<16xi1>, vector<16xi32>
    %eq3A_23 = arith.constant 8 : i32
    %eq3A_24 = vector.broadcast %eq3A_23 : i32 to vector<16xi32>
    %eq3A_25 = arith.cmpi eq, %iota3A, %eq3A_24 : vector<16xi32>
    %broadcast_in_dim3A_26 = arith.constant 3 : i32
    %broadcast_in_dim3A_27 = vector.broadcast %broadcast_in_dim3A_26 : i32 to vector<16xi32>
    %select_n3A_28 = arith.select %eq3A_25, %broadcast_in_dim3A_27, %select_n3A_22 : vector<16xi1>, vector<16xi32>
    %get3A = arith.constant 0 : index
    %get3A_29 = tpu.vector_load %arg10[%get3A] {strides = array<i32>} : memref<16xf32, #tpu.memory_space<vmem>>, vector<16xf32>,
    %broadcast_in_dim3A_30 = vector.shape_cast %select_n3A_28 : vector<16xi32> to vector<16x1xi32>
    %gather3A = vector.shape_cast %broadcast_in_dim3A_30 : vector<16x1xi32> to vector<16xi32>
    %gather3A_31 = tpu.dynamic_gather %get3A_29[%gather3A] in [0] : vector<16xf32>, vector<16xi32> -> vector<16xf32>
    "tpu.region"() ({
      %run_scoped3A = tpu.sem_alloc : memref<!tpu.dma_semaphore, #tpu.memory_space<semaphore_mem>>
      %dma_start3A_86 = tpu.memref_slice %arg3[%mul3A_2] : memref<16384xf32, #tpu.memory_space<hbm>> -> memref<128xf32, #tpu.memory_space<hbm>>
      %dma_start3A_87 = tpu.memref_slice %arg3[%mul3A_2] : memref<16384xf32, #tpu.memory_space<hbm>> -> memref<128xf32, #tpu.memory_space<hbm>>
      tpu.enqueue_dma source(%dma_start3A_87 : memref<128xf32, #tpu.memory_space<hbm>>) target(%arg8 : memref<128xf32, #tpu.memory_space<vmem>>) target_semaphore(%run_scoped3A : memref<!tpu.dma_semaphore, #tpu.memory_space<semaphore_mem>>)
      %dma_wait3A_88 = tpu.memref_slice %arg3[%mul3A_2] : memref<16384xf32, #tpu.memory_space<hbm>> -> memref<128xf32, #tpu.memory_space<hbm>>
      %dma_wait3A_89 = tpu.memref_slice %arg3[%mul3A_2] : memref<16384xf32, #tpu.memory_space<hbm>> -> memref<128xf32, #tpu.memory_space<hbm>>
      tpu.wait_dma2 semaphore(%run_scoped3A : memref<!tpu.dma_semaphore, #tpu.memory_space<semaphore_mem>>) src(%dma_wait3A_89 : memref<128xf32, #tpu.memory_space<hbm>>) dst(%arg8 : memref<128xf32, #tpu.memory_space<vmem>>)
      tpu.yield
    }) : () -> ()
    %add3A_32 = arith.constant 0 : i32
    %add3A_33 = arith.addi %mul3A_2, %add3A_32 : i32
    %dma_start3A = arith.constant 0 : i32
    %dma_start3A_34 = tpu.memref_slice %arg2[%dma_start3A, %add3A_33] : memref<200x16384xi32, #tpu.memory_space<hbm>> -> memref<200x128xi32, #tpu.memory_space<hbm>>
    %dma_start3A_35 = arith.constant 0 : i32
    %dma_start3A_36 = tpu.memref_slice %arg2[%dma_start3A_35, %add3A_33] : memref<200x16384xi32, #tpu.memory_space<hbm>> -> memref<200x128xi32, #tpu.memory_space<hbm>>
    tpu.enqueue_dma source(%dma_start3A_36 : memref<200x128xi32, #tpu.memory_space<hbm>>) target(%arg6 : memref<200x128xi32, #tpu.memory_space<vmem>>) target_semaphore(%arg11 : memref<!tpu.dma_semaphore, #tpu.memory_space<semaphore_mem>>)
    %add3A_37 = arith.constant 0 : i32
    %add3A_38 = arith.addi %mul3A_2, %add3A_37 : i32
    %dma_wait3A = arith.constant 0 : i32
    %dma_wait3A_39 = tpu.memref_slice %arg2[%dma_wait3A, %add3A_38] : memref<200x16384xi32, #tpu.memory_space<hbm>> -> memref<200x128xi32, #tpu.memory_space<hbm>>
    %dma_wait3A_40 = arith.constant 0 : i32
    %dma_wait3A_41 = tpu.memref_slice %arg2[%dma_wait3A_40, %add3A_38] : memref<200x16384xi32, #tpu.memory_space<hbm>> -> memref<200x128xi32, #tpu.memory_space<hbm>>
    tpu.wait_dma2 semaphore(%arg11 : memref<!tpu.dma_semaphore, #tpu.memory_space<semaphore_mem>>) src(%dma_wait3A_41 : memref<200x128xi32, #tpu.memory_space<hbm>>) dst(%arg6 : memref<200x128xi32, #tpu.memory_space<vmem>>)
    %scan3A = arith.constant 0 : i32
    %scan3A_42 = arith.constant 100 : i32
    %scan3A_43 = arith.addi %scan3A, %scan3A_42 : i32
    %scan3A_44 = arith.constant 1 : i32
    %scan3A_45:8 = scf.for %scan3A_86 = %scan3A to %scan3A_43 step %scan3A_44 iter_args(%scan3A_87 = %broadcast_in_dim3A_3, %scan3A_88 = %broadcast_in_dim3A_3, %scan3A_89 = %broadcast_in_dim3A_3, %scan3A_90 = %broadcast_in_dim3A_3, %scan3A_91 = %broadcast_in_dim3A_3, %scan3A_92 = %broadcast_in_dim3A_3, %scan3A_93 = %broadcast_in_dim3A_3, %scan3A_94 = %broadcast_in_dim3A_3) -> (vector<16xf32>, vector<16xf32>, vector<16xf32>, vector<16xf32>, vector<16xf32>, vector<16xf32>, vector<16xf32>, vector<16xf32>)  : i32 {
      %mul3A_95 = arith.constant 2 : i32
      %mul3A_96 = arith.muli %scan3A_86, %mul3A_95 : i32
      %add3A_97 = arith.constant 0 : i32
      %add3A_98 = arith.addi %mul3A_96, %add3A_97 : i32
      %get3A_99 = arith.index_cast %add3A_98 : i32 to index
      %get3A_100 = arith.constant 0 : index
      %get3A_101 = tpu.vector_load %arg6[%get3A_99, %get3A_100] {strides = array<i32>} : memref<200x128xi32, #tpu.memory_space<vmem>>, vector<16xi32>,
      %bitcast3A = vector.bitcast %get3A_101 : vector<16xi32> to vector<16xi32>
      %min3A = arith.constant 15 : i32
      %min3A_102 = vector.broadcast %min3A : i32 to vector<16xi32>
      %min3A_103 = arith.minui %bitcast3A, %min3A_102 : vector<16xi32>
      %bitcast3A_104 = vector.bitcast %min3A_103 : vector<16xi32> to vector<16xi32>
      %broadcast_in_dim3A_105 = vector.shape_cast %bitcast3A_104 : vector<16xi32> to vector<16x1xi32>
      %gather3A_106 = vector.shape_cast %broadcast_in_dim3A_105 : vector<16x1xi32> to vector<16xi32>
      %gather3A_107 = tpu.dynamic_gather %gather3A_31[%gather3A_106] in [0] : vector<16xf32>, vector<16xi32> -> vector<16xf32>
      %add3A_108 = arith.addf %scan3A_87, %gather3A_107 : vector<16xf32>
      %get3A_109 = arith.index_cast %add3A_98 : i32 to index
      %get3A_110 = arith.constant 16 : index
      %get3A_111 = tpu.vector_load %arg6[%get3A_109, %get3A_110] {strides = array<i32>} : memref<200x128xi32, #tpu.memory_space<vmem>>, vector<16xi32>,
      %bitcast3A_112 = vector.bitcast %get3A_111 : vector<16xi32> to vector<16xi32>
      %min3A_113 = arith.constant 15 : i32
      %min3A_114 = vector.broadcast %min3A_113 : i32 to vector<16xi32>
      %min3A_115 = arith.minui %bitcast3A_112, %min3A_114 : vector<16xi32>
      %bitcast3A_116 = vector.bitcast %min3A_115 : vector<16xi32> to vector<16xi32>
      %broadcast_in_dim3A_117 = vector.shape_cast %bitcast3A_116 : vector<16xi32> to vector<16x1xi32>
      %gather3A_118 = vector.shape_cast %broadcast_in_dim3A_117 : vector<16x1xi32> to vector<16xi32>
      %gather3A_119 = tpu.dynamic_gather %gather3A_31[%gather3A_118] in [0] : vector<16xf32>, vector<16xi32> -> vector<16xf32>
      %add3A_120 = arith.addf %scan3A_88, %gather3A_119 : vector<16xf32>
      %get3A_121 = arith.index_cast %add3A_98 : i32 to index
      %get3A_122 = arith.constant 32 : index
      %get3A_123 = tpu.vector_load %arg6[%get3A_121, %get3A_122] {strides = array<i32>} : memref<200x128xi32, #tpu.memory_space<vmem>>, vector<16xi32>,
      %bitcast3A_124 = vector.bitcast %get3A_123 : vector<16xi32> to vector<16xi32>
      %min3A_125 = arith.constant 15 : i32
      %min3A_126 = vector.broadcast %min3A_125 : i32 to vector<16xi32>
      %min3A_127 = arith.minui %bitcast3A_124, %min3A_126 : vector<16xi32>
      %bitcast3A_128 = vector.bitcast %min3A_127 : vector<16xi32> to vector<16xi32>
      %broadcast_in_dim3A_129 = vector.shape_cast %bitcast3A_128 : vector<16xi32> to vector<16x1xi32>
      %gather3A_130 = vector.shape_cast %broadcast_in_dim3A_129 : vector<16x1xi32> to vector<16xi32>
      %gather3A_131 = tpu.dynamic_gather %gather3A_31[%gather3A_130] in [0] : vector<16xf32>, vector<16xi32> -> vector<16xf32>
      %add3A_132 = arith.addf %scan3A_89, %gather3A_131 : vector<16xf32>
      %get3A_133 = arith.index_cast %add3A_98 : i32 to index
      %get3A_134 = arith.constant 48 : index
      %get3A_135 = tpu.vector_load %arg6[%get3A_133, %get3A_134] {strides = array<i32>} : memref<200x128xi32, #tpu.memory_space<vmem>>, vector<16xi32>,
      %bitcast3A_136 = vector.bitcast %get3A_135 : vector<16xi32> to vector<16xi32>
      %min3A_137 = arith.constant 15 : i32
      %min3A_138 = vector.broadcast %min3A_137 : i32 to vector<16xi32>
      %min3A_139 = arith.minui %bitcast3A_136, %min3A_138 : vector<16xi32>
      %bitcast3A_140 = vector.bitcast %min3A_139 : vector<16xi32> to vector<16xi32>
      %broadcast_in_dim3A_141 = vector.shape_cast %bitcast3A_140 : vector<16xi32> to vector<16x1xi32>
      %gather3A_142 = vector.shape_cast %broadcast_in_dim3A_141 : vector<16x1xi32> to vector<16xi32>
      %gather3A_143 = tpu.dynamic_gather %gather3A_31[%gather3A_142] in [0] : vector<16xf32>, vector<16xi32> -> vector<16xf32>
      %add3A_144 = arith.addf %scan3A_90, %gather3A_143 : vector<16xf32>
      %get3A_145 = arith.index_cast %add3A_98 : i32 to index
      %get3A_146 = arith.constant 64 : index
      %get3A_147 = tpu.vector_load %arg6[%get3A_145, %get3A_146] {strides = array<i32>} : memref<200x128xi32, #tpu.memory_space<vmem>>, vector<16xi32>,
      %bitcast3A_148 = vector.bitcast %get3A_147 : vector<16xi32> to vector<16xi32>
      %min3A_149 = arith.constant 15 : i32
      %min3A_150 = vector.broadcast %min3A_149 : i32 to vector<16xi32>
      %min3A_151 = arith.minui %bitcast3A_148, %min3A_150 : vector<16xi32>
      %bitcast3A_152 = vector.bitcast %min3A_151 : vector<16xi32> to vector<16xi32>
      %broadcast_in_dim3A_153 = vector.shape_cast %bitcast3A_152 : vector<16xi32> to vector<16x1xi32>
      %gather3A_154 = vector.shape_cast %broadcast_in_dim3A_153 : vector<16x1xi32> to vector<16xi32>
      %gather3A_155 = tpu.dynamic_gather %gather3A_31[%gather3A_154] in [0] : vector<16xf32>, vector<16xi32> -> vector<16xf32>
      %add3A_156 = arith.addf %scan3A_91, %gather3A_155 : vector<16xf32>
      %get3A_157 = arith.index_cast %add3A_98 : i32 to index
      %get3A_158 = arith.constant 80 : index
      %get3A_159 = tpu.vector_load %arg6[%get3A_157, %get3A_158] {strides = array<i32>} : memref<200x128xi32, #tpu.memory_space<vmem>>, vector<16xi32>,
      %bitcast3A_160 = vector.bitcast %get3A_159 : vector<16xi32> to vector<16xi32>
      %min3A_161 = arith.constant 15 : i32
      %min3A_162 = vector.broadcast %min3A_161 : i32 to vector<16xi32>
      %min3A_163 = arith.minui %bitcast3A_160, %min3A_162 : vector<16xi32>
      %bitcast3A_164 = vector.bitcast %min3A_163 : vector<16xi32> to vector<16xi32>
      %broadcast_in_dim3A_165 = vector.shape_cast %bitcast3A_164 : vector<16xi32> to vector<16x1xi32>
      %gather3A_166 = vector.shape_cast %broadcast_in_dim3A_165 : vector<16x1xi32> to vector<16xi32>
      %gather3A_167 = tpu.dynamic_gather %gather3A_31[%gather3A_166] in [0] : vector<16xf32>, vector<16xi32> -> vector<16xf32>
      %add3A_168 = arith.addf %scan3A_92, %gather3A_167 : vector<16xf32>
      %get3A_169 = arith.index_cast %add3A_98 : i32 to index
      %get3A_170 = arith.constant 96 : index
      %get3A_171 = tpu.vector_load %arg6[%get3A_169, %get3A_170] {strides = array<i32>} : memref<200x128xi32, #tpu.memory_space<vmem>>, vector<16xi32>,
      %bitcast3A_172 = vector.bitcast %get3A_171 : vector<16xi32> to vector<16xi32>
      %min3A_173 = arith.constant 15 : i32
      %min3A_174 = vector.broadcast %min3A_173 : i32 to vector<16xi32>
      %min3A_175 = arith.minui %bitcast3A_172, %min3A_174 : vector<16xi32>
      %bitcast3A_176 = vector.bitcast %min3A_175 : vector<16xi32> to vector<16xi32>
      %broadcast_in_dim3A_177 = vector.shape_cast %bitcast3A_176 : vector<16xi32> to vector<16x1xi32>
      %gather3A_178 = vector.shape_cast %broadcast_in_dim3A_177 : vector<16x1xi32> to vector<16xi32>
      %gather3A_179 = tpu.dynamic_gather %gather3A_31[%gather3A_178] in [0] : vector<16xf32>, vector<16xi32> -> vector<16xf32>
      %add3A_180 = arith.addf %scan3A_93, %gather3A_179 : vector<16xf32>
      %get3A_181 = arith.index_cast %add3A_98 : i32 to index
      %get3A_182 = arith.constant 112 : index
      %get3A_183 = tpu.vector_load %arg6[%get3A_181, %get3A_182] {strides = array<i32>} : memref<200x128xi32, #tpu.memory_space<vmem>>, vector<16xi32>,
      %bitcast3A_184 = vector.bitcast %get3A_183 : vector<16xi32> to vector<16xi32>
      %min3A_185 = arith.constant 15 : i32
      %min3A_186 = vector.broadcast %min3A_185 : i32 to vector<16xi32>
      %min3A_187 = arith.minui %bitcast3A_184, %min3A_186 : vector<16xi32>
      %bitcast3A_188 = vector.bitcast %min3A_187 : vector<16xi32> to vector<16xi32>
      %broadcast_in_dim3A_189 = vector.shape_cast %bitcast3A_188 : vector<16xi32> to vector<16x1xi32>
      %gather3A_190 = vector.shape_cast %broadcast_in_dim3A_189 : vector<16x1xi32> to vector<16xi32>
      %gather3A_191 = tpu.dynamic_gather %gather3A_31[%gather3A_190] in [0] : vector<16xf32>, vector<16xi32> -> vector<16xf32>
      %add3A_192 = arith.addf %scan3A_94, %gather3A_191 : vector<16xf32>
      %mul3A_193 = arith.constant 2 : i32
      %mul3A_194 = arith.muli %scan3A_86, %mul3A_193 : i32
      %add3A_195 = arith.constant 1 : i32
      %add3A_196 = arith.addi %mul3A_194, %add3A_195 : i32
      %get3A_197 = arith.index_cast %add3A_196 : i32 to index
      %get3A_198 = arith.constant 0 : index
      %get3A_199 = tpu.vector_load %arg6[%get3A_197, %get3A_198] {strides = array<i32>} : memref<200x128xi32, #tpu.memory_space<vmem>>, vector<16xi32>,
      %bitcast3A_200 = vector.bitcast %get3A_199 : vector<16xi32> to vector<16xi32>
      %min3A_201 = arith.constant 15 : i32
      %min3A_202 = vector.broadcast %min3A_201 : i32 to vector<16xi32>
      %min3A_203 = arith.minui %bitcast3A_200, %min3A_202 : vector<16xi32>
      %bitcast3A_204 = vector.bitcast %min3A_203 : vector<16xi32> to vector<16xi32>
      %broadcast_in_dim3A_205 = vector.shape_cast %bitcast3A_204 : vector<16xi32> to vector<16x1xi32>
      %gather3A_206 = vector.shape_cast %broadcast_in_dim3A_205 : vector<16x1xi32> to vector<16xi32>
      %gather3A_207 = tpu.dynamic_gather %gather3A_31[%gather3A_206] in [0] : vector<16xf32>, vector<16xi32> -> vector<16xf32>
      %add3A_208 = arith.addf %add3A_108, %gather3A_207 : vector<16xf32>
      %get3A_209 = arith.index_cast %add3A_196 : i32 to index
      %get3A_210 = arith.constant 16 : index
      %get3A_211 = tpu.vector_load %arg6[%get3A_209, %get3A_210] {strides = array<i32>} : memref<200x128xi32, #tpu.memory_space<vmem>>, vector<16xi32>,
      %bitcast3A_212 = vector.bitcast %get3A_211 : vector<16xi32> to vector<16xi32>
      %min3A_213 = arith.constant 15 : i32
      %min3A_214 = vector.broadcast %min3A_213 : i32 to vector<16xi32>
      %min3A_215 = arith.minui %bitcast3A_212, %min3A_214 : vector<16xi32>
      %bitcast3A_216 = vector.bitcast %min3A_215 : vector<16xi32> to vector<16xi32>
      %broadcast_in_dim3A_217 = vector.shape_cast %bitcast3A_216 : vector<16xi32> to vector<16x1xi32>
      %gather3A_218 = vector.shape_cast %broadcast_in_dim3A_217 : vector<16x1xi32> to vector<16xi32>
      %gather3A_219 = tpu.dynamic_gather %gather3A_31[%gather3A_218] in [0] : vector<16xf32>, vector<16xi32> -> vector<16xf32>
      %add3A_220 = arith.addf %add3A_120, %gather3A_219 : vector<16xf32>
      %get3A_221 = arith.index_cast %add3A_196 : i32 to index
      %get3A_222 = arith.constant 32 : index
      %get3A_223 = tpu.vector_load %arg6[%get3A_221, %get3A_222] {strides = array<i32>} : memref<200x128xi32, #tpu.memory_space<vmem>>, vector<16xi32>,
      %bitcast3A_224 = vector.bitcast %get3A_223 : vector<16xi32> to vector<16xi32>
      %min3A_225 = arith.constant 15 : i32
      %min3A_226 = vector.broadcast %min3A_225 : i32 to vector<16xi32>
      %min3A_227 = arith.minui %bitcast3A_224, %min3A_226 : vector<16xi32>
      %bitcast3A_228 = vector.bitcast %min3A_227 : vector<16xi32> to vector<16xi32>
      %broadcast_in_dim3A_229 = vector.shape_cast %bitcast3A_228 : vector<16xi32> to vector<16x1xi32>
      %gather3A_230 = vector.shape_cast %broadcast_in_dim3A_229 : vector<16x1xi32> to vector<16xi32>
      %gather3A_231 = tpu.dynamic_gather %gather3A_31[%gather3A_230] in [0] : vector<16xf32>, vector<16xi32> -> vector<16xf32>
      %add3A_232 = arith.addf %add3A_132, %gather3A_231 : vector<16xf32>
      %get3A_233 = arith.index_cast %add3A_196 : i32 to index
      %get3A_234 = arith.constant 48 : index
      %get3A_235 = tpu.vector_load %arg6[%get3A_233, %get3A_234] {strides = array<i32>} : memref<200x128xi32, #tpu.memory_space<vmem>>, vector<16xi32>,
      %bitcast3A_236 = vector.bitcast %get3A_235 : vector<16xi32> to vector<16xi32>
      %min3A_237 = arith.constant 15 : i32
      %min3A_238 = vector.broadcast %min3A_237 : i32 to vector<16xi32>
      %min3A_239 = arith.minui %bitcast3A_236, %min3A_238 : vector<16xi32>
      %bitcast3A_240 = vector.bitcast %min3A_239 : vector<16xi32> to vector<16xi32>
      %broadcast_in_dim3A_241 = vector.shape_cast %bitcast3A_240 : vector<16xi32> to vector<16x1xi32>
      %gather3A_242 = vector.shape_cast %broadcast_in_dim3A_241 : vector<16x1xi32> to vector<16xi32>
      %gather3A_243 = tpu.dynamic_gather %gather3A_31[%gather3A_242] in [0] : vector<16xf32>, vector<16xi32> -> vector<16xf32>
      %add3A_244 = arith.addf %add3A_144, %gather3A_243 : vector<16xf32>
      %get3A_245 = arith.index_cast %add3A_196 : i32 to index
      %get3A_246 = arith.constant 64 : index
      %get3A_247 = tpu.vector_load %arg6[%get3A_245, %get3A_246] {strides = array<i32>} : memref<200x128xi32, #tpu.memory_space<vmem>>, vector<16xi32>,
      %bitcast3A_248 = vector.bitcast %get3A_247 : vector<16xi32> to vector<16xi32>
      %min3A_249 = arith.constant 15 : i32
      %min3A_250 = vector.broadcast %min3A_249 : i32 to vector<16xi32>
      %min3A_251 = arith.minui %bitcast3A_248, %min3A_250 : vector<16xi32>
      %bitcast3A_252 = vector.bitcast %min3A_251 : vector<16xi32> to vector<16xi32>
      %broadcast_in_dim3A_253 = vector.shape_cast %bitcast3A_252 : vector<16xi32> to vector<16x1xi32>
      %gather3A_254 = vector.shape_cast %broadcast_in_dim3A_253 : vector<16x1xi32> to vector<16xi32>
      %gather3A_255 = tpu.dynamic_gather %gather3A_31[%gather3A_254] in [0] : vector<16xf32>, vector<16xi32> -> vector<16xf32>
      %add3A_256 = arith.addf %add3A_156, %gather3A_255 : vector<16xf32>
      %get3A_257 = arith.index_cast %add3A_196 : i32 to index
      %get3A_258 = arith.constant 80 : index
      %get3A_259 = tpu.vector_load %arg6[%get3A_257, %get3A_258] {strides = array<i32>} : memref<200x128xi32, #tpu.memory_space<vmem>>, vector<16xi32>,
      %bitcast3A_260 = vector.bitcast %get3A_259 : vector<16xi32> to vector<16xi32>
      %min3A_261 = arith.constant 15 : i32
      %min3A_262 = vector.broadcast %min3A_261 : i32 to vector<16xi32>
      %min3A_263 = arith.minui %bitcast3A_260, %min3A_262 : vector<16xi32>
      %bitcast3A_264 = vector.bitcast %min3A_263 : vector<16xi32> to vector<16xi32>
      %broadcast_in_dim3A_265 = vector.shape_cast %bitcast3A_264 : vector<16xi32> to vector<16x1xi32>
      %gather3A_266 = vector.shape_cast %broadcast_in_dim3A_265 : vector<16x1xi32> to vector<16xi32>
      %gather3A_267 = tpu.dynamic_gather %gather3A_31[%gather3A_266] in [0] : vector<16xf32>, vector<16xi32> -> vector<16xf32>
      %add3A_268 = arith.addf %add3A_168, %gather3A_267 : vector<16xf32>
      %get3A_269 = arith.index_cast %add3A_196 : i32 to index
      %get3A_270 = arith.constant 96 : index
      %get3A_271 = tpu.vector_load %arg6[%get3A_269, %get3A_270] {strides = array<i32>} : memref<200x128xi32, #tpu.memory_space<vmem>>, vector<16xi32>,
      %bitcast3A_272 = vector.bitcast %get3A_271 : vector<16xi32> to vector<16xi32>
      %min3A_273 = arith.constant 15 : i32
      %min3A_274 = vector.broadcast %min3A_273 : i32 to vector<16xi32>
      %min3A_275 = arith.minui %bitcast3A_272, %min3A_274 : vector<16xi32>
      %bitcast3A_276 = vector.bitcast %min3A_275 : vector<16xi32> to vector<16xi32>
      %broadcast_in_dim3A_277 = vector.shape_cast %bitcast3A_276 : vector<16xi32> to vector<16x1xi32>
      %gather3A_278 = vector.shape_cast %broadcast_in_dim3A_277 : vector<16x1xi32> to vector<16xi32>
      %gather3A_279 = tpu.dynamic_gather %gather3A_31[%gather3A_278] in [0] : vector<16xf32>, vector<16xi32> -> vector<16xf32>
      %add3A_280 = arith.addf %add3A_180, %gather3A_279 : vector<16xf32>
      %get3A_281 = arith.index_cast %add3A_196 : i32 to index
      %get3A_282 = arith.constant 112 : index
      %get3A_283 = tpu.vector_load %arg6[%get3A_281, %get3A_282] {strides = array<i32>} : memref<200x128xi32, #tpu.memory_space<vmem>>, vector<16xi32>,
      %bitcast3A_284 = vector.bitcast %get3A_283 : vector<16xi32> to vector<16xi32>
      %min3A_285 = arith.constant 15 : i32
      %min3A_286 = vector.broadcast %min3A_285 : i32 to vector<16xi32>
      %min3A_287 = arith.minui %bitcast3A_284, %min3A_286 : vector<16xi32>
      %bitcast3A_288 = vector.bitcast %min3A_287 : vector<16xi32> to vector<16xi32>
      %broadcast_in_dim3A_289 = vector.shape_cast %bitcast3A_288 : vector<16xi32> to vector<16x1xi32>
      %gather3A_290 = vector.shape_cast %broadcast_in_dim3A_289 : vector<16x1xi32> to vector<16xi32>
      %gather3A_291 = tpu.dynamic_gather %gather3A_31[%gather3A_290] in [0] : vector<16xf32>, vector<16xi32> -> vector<16xf32>
      %add3A_292 = arith.addf %add3A_192, %gather3A_291 : vector<16xf32>
      scf.yield %add3A_208, %add3A_220, %add3A_232, %add3A_244, %add3A_256, %add3A_268, %add3A_280, %add3A_292 : vector<16xf32>, vector<16xf32>, vector<16xf32>, vector<16xf32>, vector<16xf32>, vector<16xf32>, vector<16xf32>, vector<16xf32>
    }
    %scan3A_46 = arith.constant 100 : i32
    %get3A_47 = arith.constant 0 : index
    %get3A_48 = tpu.vector_load %arg8[%get3A_47] {strides = array<i32>} : memref<128xf32, #tpu.memory_space<vmem>>, vector<16xf32>,
    %sub3A = arith.subf %get3A_48, %scan3A_45#0 : vector<16xf32>
    %swap3A_49 = arith.constant 0 : index
    %swap3A_50 = tpu.vector_load %arg9[%swap3A_49] {strides = array<i32>} : memref<128xf32, #tpu.memory_space<vmem>>, vector<16xf32>,
    tpu.vector_store %arg9[%swap3A_49], %sub3A {strides = array<i32>} : memref<128xf32, #tpu.memory_space<vmem>>, vector<16xf32>,
    %get3A_51 = arith.constant 16 : index
    %get3A_52 = tpu.vector_load %arg8[%get3A_51] {strides = array<i32>} : memref<128xf32, #tpu.memory_space<vmem>>, vector<16xf32>,
    %sub3A_53 = arith.subf %get3A_52, %scan3A_45#1 : vector<16xf32>
    %swap3A_54 = arith.constant 16 : index
    %swap3A_55 = tpu.vector_load %arg9[%swap3A_54] {strides = array<i32>} : memref<128xf32, #tpu.memory_space<vmem>>, vector<16xf32>,
    tpu.vector_store %arg9[%swap3A_54], %sub3A_53 {strides = array<i32>} : memref<128xf32, #tpu.memory_space<vmem>>, vector<16xf32>,
    %get3A_56 = arith.constant 32 : index
    %get3A_57 = tpu.vector_load %arg8[%get3A_56] {strides = array<i32>} : memref<128xf32, #tpu.memory_space<vmem>>, vector<16xf32>,
    %sub3A_58 = arith.subf %get3A_57, %scan3A_45#2 : vector<16xf32>
    %swap3A_59 = arith.constant 32 : index
    %swap3A_60 = tpu.vector_load %arg9[%swap3A_59] {strides = array<i32>} : memref<128xf32, #tpu.memory_space<vmem>>, vector<16xf32>,
    tpu.vector_store %arg9[%swap3A_59], %sub3A_58 {strides = array<i32>} : memref<128xf32, #tpu.memory_space<vmem>>, vector<16xf32>,
    %get3A_61 = arith.constant 48 : index
    %get3A_62 = tpu.vector_load %arg8[%get3A_61] {strides = array<i32>} : memref<128xf32, #tpu.memory_space<vmem>>, vector<16xf32>,
    %sub3A_63 = arith.subf %get3A_62, %scan3A_45#3 : vector<16xf32>
    %swap3A_64 = arith.constant 48 : index
    %swap3A_65 = tpu.vector_load %arg9[%swap3A_64] {strides = array<i32>} : memref<128xf32, #tpu.memory_space<vmem>>, vector<16xf32>,
    tpu.vector_store %arg9[%swap3A_64], %sub3A_63 {strides = array<i32>} : memref<128xf32, #tpu.memory_space<vmem>>, vector<16xf32>,
    %get3A_66 = arith.constant 64 : index
    %get3A_67 = tpu.vector_load %arg8[%get3A_66] {strides = array<i32>} : memref<128xf32, #tpu.memory_space<vmem>>, vector<16xf32>,
    %sub3A_68 = arith.subf %get3A_67, %scan3A_45#4 : vector<16xf32>
    %swap3A_69 = arith.constant 64 : index
    %swap3A_70 = tpu.vector_load %arg9[%swap3A_69] {strides = array<i32>} : memref<128xf32, #tpu.memory_space<vmem>>, vector<16xf32>,
    tpu.vector_store %arg9[%swap3A_69], %sub3A_68 {strides = array<i32>} : memref<128xf32, #tpu.memory_space<vmem>>, vector<16xf32>,
    %get3A_71 = arith.constant 80 : index
    %get3A_72 = tpu.vector_load %arg8[%get3A_71] {strides = array<i32>} : memref<128xf32, #tpu.memory_space<vmem>>, vector<16xf32>,
    %sub3A_73 = arith.subf %get3A_72, %scan3A_45#5 : vector<16xf32>
    %swap3A_74 = arith.constant 80 : index
    %swap3A_75 = tpu.vector_load %arg9[%swap3A_74] {strides = array<i32>} : memref<128xf32, #tpu.memory_space<vmem>>, vector<16xf32>,
    tpu.vector_store %arg9[%swap3A_74], %sub3A_73 {strides = array<i32>} : memref<128xf32, #tpu.memory_space<vmem>>, vector<16xf32>,
    %get3A_76 = arith.constant 96 : index
    %get3A_77 = tpu.vector_load %arg8[%get3A_76] {strides = array<i32>} : memref<128xf32, #tpu.memory_space<vmem>>, vector<16xf32>,
    %sub3A_78 = arith.subf %get3A_77, %scan3A_45#6 : vector<16xf32>
    %swap3A_79 = arith.constant 96 : index
    %swap3A_80 = tpu.vector_load %arg9[%swap3A_79] {strides = array<i32>} : memref<128xf32, #tpu.memory_space<vmem>>, vector<16xf32>,
    tpu.vector_store %arg9[%swap3A_79], %sub3A_78 {strides = array<i32>} : memref<128xf32, #tpu.memory_space<vmem>>, vector<16xf32>,
    %get3A_81 = arith.constant 112 : index
    %get3A_82 = tpu.vector_load %arg8[%get3A_81] {strides = array<i32>} : memref<128xf32, #tpu.memory_space<vmem>>, vector<16xf32>,
    %sub3A_83 = arith.subf %get3A_82, %scan3A_45#7 : vector<16xf32>
    %swap3A_84 = arith.constant 112 : index
    %swap3A_85 = tpu.vector_load %arg9[%swap3A_84] {strides = array<i32>} : memref<128xf32, #tpu.memory_space<vmem>>, vector<16xf32>,
    tpu.vector_store %arg9[%swap3A_84], %sub3A_83 {strides = array<i32>} : memref<128xf32, #tpu.memory_space<vmem>>, vector<16xf32>,
    "tpu.region"() ({
      %run_scoped3A = tpu.sem_alloc : memref<!tpu.dma_semaphore, #tpu.memory_space<semaphore_mem>>
      %dma_start3A_86 = tpu.memref_slice %arg5[%mul3A_2] : memref<4096xf32, #tpu.memory_space<hbm>> -> memref<128xf32, #tpu.memory_space<hbm>>
      %dma_start3A_87 = tpu.memref_slice %arg5[%mul3A_2] : memref<4096xf32, #tpu.memory_space<hbm>> -> memref<128xf32, #tpu.memory_space<hbm>>
      tpu.enqueue_dma source(%arg9 : memref<128xf32, #tpu.memory_space<vmem>>) target(%dma_start3A_87 : memref<128xf32, #tpu.memory_space<hbm>>) target_semaphore(%run_scoped3A : memref<!tpu.dma_semaphore, #tpu.memory_space<semaphore_mem>>)
      %dma_wait3A_88 = tpu.memref_slice %arg5[%mul3A_2] : memref<4096xf32, #tpu.memory_space<hbm>> -> memref<128xf32, #tpu.memory_space<hbm>>
      %dma_wait3A_89 = tpu.memref_slice %arg5[%mul3A_2] : memref<4096xf32, #tpu.memory_space<hbm>> -> memref<128xf32, #tpu.memory_space<hbm>>
      tpu.wait_dma2 semaphore(%run_scoped3A : memref<!tpu.dma_semaphore, #tpu.memory_space<semaphore_mem>>) src(%arg9 : memref<128xf32, #tpu.memory_space<vmem>>) dst(%dma_wait3A_89 : memref<128xf32, #tpu.memory_space<hbm>>)
      tpu.yield
    }) : () -> ()
    return
  }
}

module attributes {stable_mosaic.version = 14 : i64} {
  func.func @body(%arg0: i32, %arg1: memref<4xf32, #tpu.memory_space<smem>>, %arg2: memref<200x4096xi32, #tpu.memory_space<vmem>>, %arg3: memref<4096xf32, #tpu.memory_space<vmem>>, %arg4: memref<4096xf32, #tpu.memory_space<vmem>>) attributes {dimension_semantics = [#tpu.dimension_semantics<arbitrary>], iteration_bounds = array<i64: 3>, scalar_prefetch = 0 : i64, scratch_operands = 0 : i64, tpu.core_type = #tpu.core_type<tc>, window_params = [{transform_indices = @transform_0, window_bounds = array<i64: 4>}, {transform_indices = @transform_1, window_bounds = array<i64: 200, 4096>}, {transform_indices = @transform_2, window_bounds = array<i64: 4096>}, {transform_indices = @transform_3, window_bounds = array<i64: 4096>}]} {
    %get3A = arith.constant 0 : index
    %get3A_0 = arith.constant 0 : index
    %get3A_1 = vector.load %arg2[%get3A, %get3A_0] : memref<200x4096xi32, #tpu.memory_space<vmem>>, vector<200x4096xi32>
    %eq3A = arith.constant 1 : i32
    %eq3A_2 = vector.broadcast %eq3A : i32 to vector<200x4096xi32>
    %eq3A_3 = arith.cmpi eq, %get3A_1, %eq3A_2 : vector<200x4096xi32>
    %get3A_4 = arith.constant 0 : index
    %get3A_5 = memref.load %arg1[%get3A_4] : memref<4xf32, #tpu.memory_space<smem>>
    %jit3A = arith.constant 0.000000e+00 : f32
    %broadcast_in_dim3A = vector.broadcast %get3A_5 : f32 to vector<200x4096xf32>
    %broadcast_in_dim3A_6 = vector.broadcast %jit3A : f32 to vector<200x4096xf32>
    %select_n3A = arith.select %eq3A_3, %broadcast_in_dim3A, %broadcast_in_dim3A_6 : vector<200x4096xi1>, vector<200x4096xf32>
    %eq3A_7 = arith.constant 6 : i32
    %eq3A_8 = vector.broadcast %eq3A_7 : i32 to vector<200x4096xi32>
    %eq3A_9 = arith.cmpi eq, %get3A_1, %eq3A_8 : vector<200x4096xi32>
    %get3A_10 = arith.constant 1 : index
    %get3A_11 = memref.load %arg1[%get3A_10] : memref<4xf32, #tpu.memory_space<smem>>
    %broadcast_in_dim3A_12 = vector.broadcast %get3A_11 : f32 to vector<200x4096xf32>
    %select_n3A_13 = arith.select %eq3A_9, %broadcast_in_dim3A_12, %select_n3A : vector<200x4096xi1>, vector<200x4096xf32>
    %eq3A_14 = arith.constant 7 : i32
    %eq3A_15 = vector.broadcast %eq3A_14 : i32 to vector<200x4096xi32>
    %eq3A_16 = arith.cmpi eq, %get3A_1, %eq3A_15 : vector<200x4096xi32>
    %get3A_17 = arith.constant 2 : index
    %get3A_18 = memref.load %arg1[%get3A_17] : memref<4xf32, #tpu.memory_space<smem>>
    %broadcast_in_dim3A_19 = vector.broadcast %get3A_18 : f32 to vector<200x4096xf32>
    %select_n3A_20 = arith.select %eq3A_16, %broadcast_in_dim3A_19, %select_n3A_13 : vector<200x4096xi1>, vector<200x4096xf32>
    %eq3A_21 = arith.constant 8 : i32
    %eq3A_22 = vector.broadcast %eq3A_21 : i32 to vector<200x4096xi32>
    %eq3A_23 = arith.cmpi eq, %get3A_1, %eq3A_22 : vector<200x4096xi32>
    %get3A_24 = arith.constant 3 : index
    %get3A_25 = memref.load %arg1[%get3A_24] : memref<4xf32, #tpu.memory_space<smem>>
    %broadcast_in_dim3A_26 = vector.broadcast %get3A_25 : f32 to vector<200x4096xf32>
    %select_n3A_27 = arith.select %eq3A_23, %broadcast_in_dim3A_26, %select_n3A_20 : vector<200x4096xi1>, vector<200x4096xf32>
    %get3A_28 = arith.constant 0 : index
    %get3A_29 = vector.load %arg3[%get3A_28] : memref<4096xf32, #tpu.memory_space<vmem>>, vector<4096xf32>
    %reduce_sum3A = arith.constant dense<0.000000e+00> : vector<4096xf32>
    %reduce_sum3A_30 = vector.multi_reduction <add>, %select_n3A_27, %reduce_sum3A [0] : vector<200x4096xf32> to vector<4096xf32>
    %sub3A = arith.subf %get3A_29, %reduce_sum3A_30 : vector<4096xf32>
    %swap3A = arith.constant 0 : index
    %swap3A_31 = vector.load %arg4[%swap3A] : memref<4096xf32, #tpu.memory_space<vmem>>, vector<4096xf32>
    tpu.vector_store %arg4[%swap3A], %sub3A {strides = array<i32>} : memref<4096xf32, #tpu.memory_space<vmem>>, vector<4096xf32>,
    return
  }
  func.func @transform_0(%arg0: i32) -> i32 {
    %c0_i32 = arith.constant 0 : i32
    %c0_i32_0 = arith.constant 0 : i32
    return %c0_i32 : i32
  }
  func.func @transform_1(%arg0: i32) -> (i32, i32) {
    %add3A = arith.constant 1 : i32
    %add3A_0 = arith.addi %add3A, %arg0 : i32
    %c0_i32 = arith.constant 0 : i32
    %c0_i32_1 = arith.constant 0 : i32
    return %c0_i32, %add3A_0 : i32, i32
  }
  func.func @transform_2(%arg0: i32) -> i32 {
    %add3A = arith.constant 1 : i32
    %add3A_0 = arith.addi %add3A, %arg0 : i32
    %c0_i32 = arith.constant 0 : i32
    return %add3A_0 : i32
  }
  func.func @transform_3(%arg0: i32) -> i32 {
    %add3A = arith.constant 1 : i32
    %add3A_0 = arith.addi %add3A, %arg0 : i32
    %c0_i32 = arith.constant 0 : i32
    return %add3A_0 : i32
  }
}

</mosaic_0001>

<sc_bundles>
// kernel: kernel.4.cloned.1.call-start
scs
__scs_entry_jumppad:
0x0: {  	(pc) =	sbr.rel $0x88, $3  }
0x1: {  	(tag) =	ssettag $0x0;
	lr =	simm.s32 $0x1  }
0x2: {  	[smem:$0x3F9E] =	sst lr;
	_ =	strace $0xD0000000  }
0x3: {  	_ = 	snop  }
0x4: {  	_ = 	snop  }
0x5: {  	_ = 	snop  }
0x6: {  	_ = 	snop  }
0x7: {  	_ = 	snop  }
__scs_overlays_trampoline_lowered:
0x8: {  	[smem:$0x3FAD] =	sst s0  }
0x9: {  	[smem:$0x3FAE] =	sst s1  }
0xa: {  	[smem:$0x3FAF] =	sst s2  }
0xb: {  	[smem:$0x3FB0] =	sst s3  }
0xc: {  	[smem:$0x3FB1] =	sst s4  }
0xd: {  	[smem:$0x3FB2] =	sst s5  }
0xe: {  	[smem:$0x3FB3] =	sst s6  }
0xf: {  	[smem:$0x3FB4] =	sst s7  }
0x10: {  	[smem:$0x3FB5] =	sst s8  }
0x11: {  	[smem:$0x3FB6] =	sst s9;
	s0 =	simm.s32 @!p0 $0x0  }
0x12: {  	s1 =	sld [smem:$0x3F9C];
	s0 =	simm.s32 @p0 $0x1  }
0x13: {  	[smem:$0x3FB7] =	sst s0;
	s0 =	simm.s32 @!p1 $0x0  }
0x14: {  	s2 =	sld [smem:$0x3F9B];
	s0 =	simm.s32 @p1 $0x1  }
0x15: {  	[smem:$0x3FB8] =	sst s0;
	s0 =	simm.s32 @!p2 $0x0  }
0x16: {  	s3 =	sld [smem:$0x3FDB];
	s0 =	simm.s32 @p2 $0x1  }
0x17: {  	s4 =	simm.s32 $0x1BF5;
	[smem:$0x3FBA] =	sst s0  }
0x18: {  	s0 =	sld [smem:$0x3F9D];
	_ =	swait.ge [sflag:s4], $0x0  }
0x19: {  	s7 =	sld [smem:$0x3F9E]  }
0x1a: {  	s8 =	sadd.s32 $0xFFFFE003, lr  }
0x1b: {  	s9 =	sadd.s32 $0xFFFFFEF7, lr;
	s5 =	simm.s32 $0xFFFFFFFF;
	p2 =	slt.u32 s8, $0xFFFFF086  }
0x1c: {  	p1 =	slt.u32 s9, $0xF7A;
	s5 =	simm.s32 @!p2 $0x0  }
0x1d: {  	s5 =	simm.s32 @p1 $0x1;
	p0 =	seq.s32 s7, s2  }
0x1e: {  	s7 =	smul.u32 @!p0 $0xF7A, s2;
	p2 =	seq.s32 @!p0 s5, $0x0  }
0x1f: {  	s9 =	smul.u32 $0xF7A, s1;
	s8 =	simm.s32 @!p0 $0x1BF5;
	p2 =	por !p2, p0  }
0x20: {  	[sflag:s8] =	ssyncset.s32 @!p0 $0xFFFFF086;
	s6 =	sadd.s32 @!p0 s3, s7;
	s7 =	simm.s32 @!p0 $0x108  }
0x21: {  	s3 =	sadd.s32 s3, s9;
	s6 =	sadd.s32 @!p0 $0x88, s6;
	s7 =	simm.s32 @p2 $0x1082  }
0x22: {  	[simem:s7], [sflag:s8] =	dma.local @!p0 [hbm:s6], $0xF7A  }
0x23: {  	s9 =	sor.u32 $0xD0000000, s2;
	s6 =	simm.s32 $0x108;
	_ =	swait.ge @!p0 [sflag:s8], $0x0  }
0x24: {  	s3 =	sadd.s32 $0x88, s3;
	s6 =	simm.s32 @!p1 $0x1082;
	[sflag:s4] =	ssyncset.s32 $0xFFFFF086  }
0x25: {  	[simem:s6], [sflag:s4] =	dma.local [hbm:s3], $0xF7A  }
0x26: {  	[smem:$0x3F9E] =	sst s1;
	(tag) =	ssettag s2;
	_ =	strace s9  }
0x27: {  	s1 =	sld [smem:$0x3FAE]  }
0x28: {  	s2 =	sld [smem:$0x3FAF]  }
0x29: {  	s4 =	sld [smem:$0x3FB1]  }
0x2a: {  	p0 =	seq.s32 s5, $0x0;
	s5 =	sld [smem:$0x3FB2]  }
0x2b: {  	s6 =	sld [smem:$0x3FB3]  }
0x2c: {  	s7 =	sld [smem:$0x3FB4]  }
0x2d: {  	s3 =	simm.s32 $0x108;
	s8 =	sld [smem:$0x3FB5]  }
0x2e: {  	s3 =	simm.s32 @!p0 $0x1082;
	s9 =	sld [smem:$0x3FB6]  }
0x2f: {  	lr =	sadd.s32 s0, s3;
	s0 =	sld [smem:$0x3FAD]  }
0x30: {  	s3 =	sld [smem:$0x3FB0]  }
0x31: {  	[smem:$0x3FB9] =	sst s10  }
0x32: {  	s10 =	sld [smem:$0x3FB7];
	_ =	sdelay $0x3  }
0x33: {  	p0 =	seq.s32 s10, $0x1;
	s10 =	sld [smem:$0x3FB9];
	_ =	sdelay $0x3  }
0x34: {  	[smem:$0x3FB9] =	sst s10  }
0x35: {  	s10 =	sld [smem:$0x3FB8];
	_ =	sdelay $0x3  }
0x36: {  	p1 =	seq.s32 s10, $0x1;
	s10 =	sld [smem:$0x3FB9];
	_ =	sdelay $0x3  }
0x37: {  	[smem:$0x3FB9] =	sst s10  }
0x38: {  	s10 =	sld [smem:$0x3FBA]  }
0x39: {  	_ = 	snop;
	(pc) =	sbr.ind lr, $3  }
0x3a: {  	_ = 	snop  }
0x3b: {  	_ = 	snop  }
0x3c: {  	p2 =	seq.s32 s10, $0x1;
	s10 =	sld [smem:$0x3FB9]  }
0x3d: {  	_ =	shalt  }
0x3e: {  	_ =	shalt  }
0x3f: {  	_ =	shalt  }
0x40: {  	_ =	shalt  }
0x41: {  	_ =	shalt  }
0x42: {  	_ =	shalt  }
0x43: {  	_ =	shalt  }
0x44: {  	_ =	shalt  }
0x45: {  	_ =	shalt  }
0x46: {  	_ =	shalt  }
0x47: {  	_ =	shalt  }
0x48: {  	_ =	shalt  }
0x49: {  	_ =	shalt  }
0x4a: {  	_ =	shalt  }
0x4b: {  	_ =	shalt  }
0x4c: {  	_ =	shalt  }
0x4d: {  	_ =	shalt  }
0x4e: {  	_ =	shalt  }
0x4f: {  	_ =	shalt  }
0x50: {  	_ =	shalt  }
0x51: {  	_ =	shalt  }
0x52: {  	_ =	shalt  }
0x53: {  	_ =	shalt  }
0x54: {  	_ =	shalt  }
0x55: {  	_ =	shalt  }
0x56: {  	_ =	shalt  }
0x57: {  	_ =	shalt  }
0x58: {  	_ =	shalt  }
0x59: {  	_ =	shalt  }
0x5a: {  	_ =	shalt  }
0x5b: {  	_ =	shalt  }
0x5c: {  	_ =	shalt  }
0x5d: {  	_ =	shalt  }
0x5e: {  	_ =	shalt  }
0x5f: {  	_ =	shalt  }
0x60: {  	_ =	shalt  }
0x61: {  	_ =	shalt  }
0x62: {  	_ =	shalt  }
0x63: {  	_ =	shalt  }
0x64: {  	_ =	shalt  }
0x65: {  	_ =	shalt  }
0x66: {  	_ =	shalt  }
0x67: {  	_ =	shalt  }
0x68: {  	_ =	shalt  }
0x69: {  	_ =	shalt  }
0x6a: {  	_ =	shalt  }
0x6b: {  	_ =	shalt  }
0x6c: {  	_ =	shalt  }
0x6d: {  	_ =	shalt  }
0x6e: {  	_ =	shalt  }
0x6f: {  	_ =	shalt  }
0x70: {  	_ =	shalt  }
0x71: {  	_ =	shalt  }
0x72: {  	_ =	shalt  }
0x73: {  	_ =	shalt  }
0x74: {  	_ =	shalt  }
0x75: {  	_ =	shalt  }
0x76: {  	_ =	shalt  }
0x77: {  	_ =	shalt  }
0x78: {  	_ =	shalt  }
0x79: {  	_ =	shalt  }
0x7a: {  	_ =	shalt  }
0x7b: {  	_ =	shalt  }
0x7c: {  	_ =	shalt  }
0x7d: {  	_ =	shalt  }
0x7e: {  	_ =	shalt  }
0x7f: {  	_ =	shalt  }
0x80: {  	_ =	shalt  }
0x81: {  	_ =	shalt  }
0x82: {  	_ =	shalt  }
0x83: {  	_ =	shalt  }
0x84: {  	_ =	shalt  }
0x85: {  	_ =	shalt  }
0x86: {  	_ =	shalt  }
0x87: {  	_ =	shalt  }
.Lfunc_end0:
.L_simem_size_0:
called_computation_lowered:
.L_overlay_start_0:
0x88: {  	s2 =	sld [smem:$0x3FD9]  }
0x89: {  	s3 =	sld [smem:$0x3FFE];
	_ =	sdelay $0x1  }
0x8a: {  	s1 =	srdreg.scid  }
0x8b: {  	s0 =	sand.u32 $0x1, s1  }
0x8c: {  	s17 =	sshll.u32 s0, $0xA;
	s2 =	sadd.s32 s3, s2  }
0x8d: {  	s2 =	sadd.s32 s2, s17  }
0x8e: {  	[smem:$0x3FC5] =	sst s2  }
0x8f: {  	_ = 	snop  }
0x90: {  	s2 =	sld [smem:$0x3FC9]  }
0x91: {  	s18 =	sld [smem:$0x3FC8]  }
0x92: {  	s4 =	sld [smem:$0x3FC7];
	(tm) =	ssettm $0x1  }
0x93: {  	s5 =	sld [smem:$0x3FFB];
	_ =	sdelay $0x3  }
0x94: {  	_ =	strace s5  }
0x95: {  	s5 =	sld [smem:$0x3FFC];
	_ =	sdelay $0x3  }
0x96: {  	_ =	strace s5  }
0x97: {  	s5 =	sld [smem:$0x3FFD];
	_ =	sdelay $0x3  }
0x98: {  	_ =	strace s5  }
0x99: {  	_ =	strace $0x8FFFFFFF  }
0x9a: {  	s19 =	sld [smem:$0x3FDB];
	_ =	sdelay $0x1  }
0x9b: {  	s6 =	simm.s32 $_scs_section_size  }
0x9c: {  	s7 =	simm.s32 $_size__tile_overlayer_lowered;
	s8 =	simm.s32 $_tile_overlayer_lowered  }
0x9d: {  	s22 =	simm.s32 $0x1BFF;
	s21 =	sshll.u32 s8, $0x1;
	s5 =	sadd.s32 s6, s19  }
0x9e: {  	s9 =	simm.s32 $0x0;
	s20 =	sshll.u32 s7, $0x1;
	s7 =	sadd.s32 s21, s5  }
0x9f: {  	[timem:s9], [sflag:s22] =	dma.local [hbm:s7], s20  }
0xa0: {  	_ =	swait.ge [sflag:s22], s20  }
0xa1: {  	s6 =	ssub.s32 $0x0, s20;
	[sflag:s22] =	ssyncset.done $0x0  }
0xa2: {  	[sflag:s22] =	ssyncadd.s32 s6;
	_ =	sdelay $0x1  }
0xa3: {  	s23 =	simm.s32 $0x1B8B  }
0xa4: {  	_ =	swait.ge [sflag:s23], $0x1  }
0xa5: {  	[sflag:s23] =	ssyncset.done $0x0  }
0xa6: {  	s25 =	simm.s32 $0x1B8E;
	s24 =	sld [smem:$0x3FFE];
	[sflag:s23] =	ssyncadd.s32 $0xFFFFFFFF  }
0xa7: {  	s26 =	simm.s32 $execute0_lowered;
	[smem:$0x3FD2] =	sst s25  }
0xa8: {  	s7 =	sshll.u32 s26, $0x1;
	_ =	strace $0x80000046;
	[dreg:$0x1] =	wrdreg $0xFFFFFFFF  }
0xa9: {  	s28 =	simm.s32 $_size_execute0_lowered;
	s5 =	sadd.s32 s5, s7;
	[dreg:$0x0] =	wrdreg $0x0  }
0xaa: {  	s7 =	sshll.u32 s28, $0x1;
	[dreg:$0x2] =	wrdreg s5  }
0xab: {  	[dreg:$0x3] =	wrdreg s7  }
0xac: {  	[dreg:$0x4] =	wrdreg $0xC0  }
0xad: {  	_ =	task [dreg:s9], $0x5FFFF  }
0xae: {  	[dreg:$0x1] =	wrdreg $0xFFFFFFFF  }
0xaf: {  	[dreg:$0x0] =	wrdreg $0x60  }
0xb0: {  	[dreg:$0x2] =	wrdreg s2  }
0xb1: {  	[dreg:$0x3] =	wrdreg s18  }
0xb2: {  	[dreg:$0x4] =	wrdreg s4  }
0xb3: {  	[dreg:$0x5] =	wrdreg s24  }
0xb4: {  	[dreg:$0x6] =	wrdreg $0x9  }
0xb5: {  	_ =	task.clear_ibuf [dreg:s9], $0x7FFFF;
	_ =	strace $0x90000046  }
0xb6: {  	s29 =	simm.s32 $0x9;
	_ =	strace $0x80000048  }
0xb7: {  	_ =	swait.ge [sflag:s29], $0x1  }
0xb8: {  	[sflag:s29] =	ssyncadd.s32 $0xFFFFFFFF  }
0xb9: {  	_ =	strace $0x90000048  }
0xba: {  	_ =	sfence  }
0xbb: {  	s30 =	sld [smem:$0x0];
	_ =	sdelay $0x2  }
0xbc: {  	s31 =	sshll.u32 s1, $0xD;
	s1 =	sshrl.u32 s1, $0x2  }
0xbd: {  	s3 =	sand.u32 $0x4000, s31;
	s1 =	sadd.s32 s1, s30  }
0xbe: {  	s0 =	sor.u32 s3, s0;
	s1 =	sshll.u32 s1, $0x11  }
0xbf: {  	s0 =	sor.u32 s1, s0  }
0xc0: {  	s0 =	sadd.s32 $0x8F2B, s0  }
0xc1: {  	[sflag:s0] =	ssyncadd.remote.s32 $0x1  }
0xc2: {  	_ =	sfence.sel $0xFFFF  }
0xc3: {  	[dreg:$0x0] =	wrdreg $0xFFFFFFFF;
	(pc) =	sbr.abs _section_cstart, $3  }
0xc4: {  	[dreg:$0x1] =	wrdreg $0xFFFFFFFF  }
0xc5: {  	_ =	task.clear_ibuf [dreg:s9], $0x2FFFF;
	_ =	strace $0x9FFFFFFF  }
0xc6: {  	(tm) =	ssettm $0x7FFFFFFF  }
0xc7: {  	_ =	shalt  }
tec
execute0_lowered:
.L_overlay_start_1:
0x0: {  	(tag) =	ssettag $0x1  }
0x1: {  	s5 =	rddreg [dreg:$0x0]  }
0x2: {  	s4 =	rddreg [dreg:$0x1]  }
0x3: {  	s2 =	rddreg [dreg:$0x2]  }
0x4: {  	s6 =	rddreg [dreg:$0x3]  }
0x5: {  	s0 =	rddreg [dreg:$0x4]  }
0x6: {  	s7 =	srdreg.scid;
	s1 =	stileid.u32  }
0x7: {  	s3 =	simm.s32 $0x0;
	s11 =	simm.s32 $0x400;
	s12 =	simm.s32 $0x20000  }
0x8: {  	s13 =	simm.s32 $0x1;
	s14 =	simm.s32 $0x6480;
	s15 =	simm.s32 $0x0  }
0x9: {  	v0 =	vimm.s32 $0x21444403;
	s7 =	sand.u32 $0x1, s7;
	s8 =	sshll.u32 s1, $0x1;
	[smem:$0x7FF] =	sst s3  }
0xa: {  	v0 =	vunpack.c.l.s4.s8 v0;
	s8 =	sor.u32 s7, s8;
	s7 =	ssub.s32 $0x2, s7;
	_ =	strace $0x80000047  }
0xb: {  	s9 =	sshll.u32 s8, $0x4;
	s10 =	sshrl.u32 s7, $0x1;
	s8 =	sshll.u32 s8, $0x7  }
0xc: {  	v0 =	vunpack.c.0.s8.s32 v0;
	s6 =	sadd.s32 s9, s6;
	s7 =	ssub.s32 s7, s10;
	s4 =	sadd.s32 s4, s9  }
0xd: {  	vm0 =	vcmask $0x2304;
	s5 =	sadd.s32 s5, s8;
	s8 =	simm.s32 $0x6500;
	s9 =	simm.s32 $0x2  }
0xe: {  	s10 =	simm.s32 $0x6400;
	s6 =	sadd.s32 $0xA00, s6;
	s7 =	smax.u32 s7, $0x1;
	v0 =	vnsel vm0, $0x4, v0  }
.LBB2_1:
0xf: {  	v4 =	vimm.f32 $0.0e+00  }
0x10: {  	[tilespmem:$0x6500] =	vst v4  }
0x11: {  	[tilespmem:s8], [sflag:$0x2] =	stream.linear.gather [hbm4b:s2+s3], $0x4, $0x38;
	[tilespmem:$0x6580] =	vst v63  }
0x12: {  	_ =	swait.ge [sflag:s9], $0x4  }
0x13: {  	[sflag:s9] =	ssyncset.done $0x0  }
0x14: {  	[sflag:s9] =	ssyncadd.s32 $0xFFFFFFFC  }
0x15: {  	v1 =	vld [tilespmem:$0x6500];
	[tilespmem:s10], [sflag:$0x2] =	stream.linear.gather [hbm4b:s4+s3], $0x80, $0x38  }
0x16: {  	_ =	swait.ge [sflag:s9], $0x80  }
0x17: {  	[sflag:s9] =	ssyncset.done $0x0  }
0x18: {  	[sflag:s9] =	ssyncadd.s32 $0xFFFFFF80  }
0x19: {  	[tilespmem:s3], [sflag:$0x1] =	stream.strided.gather [hbm4b:s5+s11], $0x6400, s12, s11, $0x38;
	[tilespmem:$0x6580] =	vst v63  }
0x1a: {  	_ =	swait.ge [sflag:s13], $0x6400  }
0x1b: {  	[sflag:s13] =	ssyncset.done $0x0  }
0x1c: {  	s16 =	simm.s32 $0x0;
	[sflag:s13] =	ssyncadd.s32 $0xFFFF9C00  }
0x1d: {  	v3 =	vld [tilespmem:s16+$0xE0]  }
0x1e: {  	v6 =	vld [tilespmem:s16+$0xD0]  }
0x1f: {  	v5 =	vld [tilespmem:s16+$0xC0]  }
0x20: {  	v7 =	vld [tilespmem:s16+$0xF0]  }
0x21: {  	v8 =	vld [tilespmem:s16+$0x50]  }
0x22: {  	v9 =	vld [tilespmem:s16+$0x70]  }
0x23: {  	v10 =	vld [tilespmem:s16+$0x60]  }
0x24: {  	v12 =	vld [tilespmem:s16+$0x10];
	_ =	sdelay $0x1  }
0x25: {  	v2 =	vperm.xlane v1, v0  }
0x26: {  	v11 =	vld [tilespmem:s16+$0x40];
	v1 =	vmin.u32 v3, $0xF;
	v3 =	vmin.u32 v5, $0xF;
	v5 =	vmin.u32 v7, $0xF  }
0x27: {  	v7 =	vmin.u32 v8, $0xF;
	v8 =	vmin.u32 v9, $0xF;
	v9 =	vmin.u32 v10, $0xF  }
0x28: {  	v15 =	vld [tilespmem:s16+$0x20];
	v14 =	vmin.u32 v6, $0xF;
	v6 =	vmin.u32 v12, $0xF;
	v1 =	vperm.xlane v2, v1  }
0x29: {  	v20 =	vld [tilespmem:s16+$0x0];
	v12 =	vimm.f32 $0.0e+00;
	v3 =	vperm.xlane v2, v3;
	v5 =	vperm.xlane v2, v5  }
0x2a: {  	v16 =	vld [tilespmem:s16+$0x90];
	v10 =	vimm.f32 $0.0e+00;
	v7 =	vperm.xlane v2, v7;
	v17 =	vperm.xlane v2, v8  }
0x2b: {  	v18 =	vld [tilespmem:s16+$0xA0];
	v8 =	vmin.u32 v11, $0xF;
	v9 =	vperm.xlane v2, v9;
	v22 =	vperm.xlane v2, v6  }
0x2c: {  	v19 =	vld [tilespmem:s16+$0x30];
	v11 =	vimm.f32 $0.0e+00;
	v13 =	vperm.xlane v2, v8;
	v8 =	vadd.f32 v7, v4  }
0x2d: {  	s17 =	simm.s32 $0x400;
	v21 =	vld [tilespmem:s16+$0x80];
	v6 =	vadd.f32 v9, v4;
	v9 =	vimm.f32 $0.0e+00;
	v7 =	vimm.f32 $0.0e+00  }
.LBB2_2:
0x2e: {  	p0 =	sne.s32 s17, $0x18C00;
	v20 =	vmin.u32 v20, $0xF;
	v15 =	vmin.u32 v15, $0xF;
	v23 =	vld [tilespmem:s16+$0xB0];
	s16 =	sshra.s32 s17, $0x2;
	s17 =	sadd.s32 $0x400, s17;
	v14 =	vperm.xlane v2, v14  }
0x2f: {  	v9 =	vadd.f32 v17, v9;
	v24 =	vld [tilespmem:s16+$0xE0];
	v20 =	vperm.xlane v2, v20;
	v4 =	vadd.f32 v22, v4  }
0x30: {  	v15 =	vperm.xlane v2, v15;
	v16 =	vmin.u32 v16, $0xF;
	v22 =	vld [tilespmem:s16+$0xD0];
	v17 =	vmin.u32 v18, $0xF  }
0x31: {  	v9 =	vadd.f32 v5, v9;
	v18 =	vld [tilespmem:s16+$0xC0];
	v12 =	vadd.f32 v20, v12;
	v19 =	vmin.u32 v19, $0xF  }
0x32: {  	v16 =	vperm.xlane v2, v16;
	v11 =	vadd.f32 v15, v11;
	v5 =	vld [tilespmem:s16+$0xF0];
	v15 =	vmin.u32 v21, $0xF  }
0x33: {  	v7 =	vadd.f32 v13, v7;
	v8 =	vadd.f32 v14, v8;
	v21 =	vld [tilespmem:s16+$0x50];
	v13 =	vmin.u32 v23, $0xF  }
0x34: {  	v4 =	vadd.f32 v16, v4;
	v16 =	vperm.xlane v2, v17;
	v14 =	vld [tilespmem:s16+$0x70];
	v20 =	vmin.u32 v24, $0xF  }
0x35: {  	v7 =	vadd.f32 v3, v7;
	v15 =	vperm.xlane v2, v15;
	v17 =	vld [tilespmem:s16+$0x60];
	v20 =	vperm.xlane v2, v20  }
0x36: {  	v6 =	vadd.f32 v1, v6;
	v23 =	vld [tilespmem:s16+$0x40];
	v3 =	vmin.u32 v18, $0xF;
	v18 =	vperm.xlane v2, v19  }
0x37: {  	v11 =	vadd.f32 v16, v11;
	v12 =	vadd.f32 v15, v12;
	v19 =	vld [tilespmem:s16+$0x10];
	v5 =	vmin.u32 v5, $0xF;
	v1 =	vmovc v20  }
0x38: {  	v3 =	vperm.xlane v2, v3;
	v15 =	vld [tilespmem:s16+$0x20];
	v5 =	vperm.xlane v2, v5;
	v10 =	vadd.f32 v18, v10  }
.Ltmp0:
0x39: {  	v24 =	vperm.xlane v2, v13;
	v16 =	vmin.u32 v21, $0xF;
	v20 =	vld [tilespmem:s16+$0x0];
	v14 =	vmin.u32 v14, $0xF;
	(pc) =	sbr.rel @p0 .LBB2_2-.Ltmp0, $4  }
0x3a: {  	v21 =	vperm.xlane v2, v16;
	v13 =	vmin.u32 v17, $0xF;
	v17 =	vperm.xlane v2, v14;
	v16 =	vld [tilespmem:s16+$0x90]  }
0x3b: {  	v14 =	vmin.u32 v22, $0xF;
	v23 =	vmin.u32 v23, $0xF;
	v25 =	vperm.xlane v2, v13;
	v18 =	vld [tilespmem:s16+$0xA0]  }
0x3c: {  	v8 =	vadd.f32 v21, v8;
	v22 =	vmin.u32 v19, $0xF;
	v19 =	vld [tilespmem:s16+$0x30];
	v13 =	vperm.xlane v2, v23  }
0x3d: {  	v10 =	vadd.f32 v24, v10;
	v22 =	vperm.xlane v2, v22;
	v6 =	vadd.f32 v25, v6;
	v21 =	vld [tilespmem:s16+$0x80]  }
0x3e: {  	v20 =	vmin.u32 v20, $0xF;
	v15 =	vmin.u32 v15, $0xF;
	v23 =	vld [tilespmem:s16+$0xB0];
	v9 =	vadd.f32 v17, v9  }
0x3f: {  	v7 =	vadd.f32 v13, v7;
	v58 =	vld [tilespmem:$0x6440];
	v20 =	vperm.xlane v2, v20;
	v4 =	vadd.f32 v22, v4  }
0x40: {  	v60 =	vld [tilespmem:$0x6460];
	v15 =	vperm.xlane v2, v15;
	v16 =	vmin.u32 v16, $0xF;
	v1 =	vadd.f32 v1, v6  }
0x41: {  	v48 =	vmin.u32 v18, $0xF;
	v16 =	vperm.xlane v2, v16;
	v3 =	vadd.f32 v3, v7  }
0x42: {  	v52 =	vld [tilespmem:$0x6410];
	v19 =	vmin.u32 v19, $0xF;
	v11 =	vadd.f32 v15, v11;
	v17 =	vperm.xlane v2, v48  }
0x43: {  	v54 =	vld [tilespmem:$0x6420];
	v12 =	vadd.f32 v20, v12;
	v49 =	vmin.u32 v21, $0xF;
	v53 =	vperm.xlane v2, v19  }
0x44: {  	v50 =	vld [tilespmem:$0x6400];
	v4 =	vadd.f32 v16, v4;
	v51 =	vperm.xlane v2, v49;
	v11 =	vadd.f32 v17, v11  }
0x45: {  	v59 =	vld [tilespmem:$0x6450];
	v55 =	vmin.u32 v23, $0xF;
	v3 =	vsub.f32 v58, v3;
	v1 =	vsub.f32 v60, v1  }
0x46: {  	v56 =	vld [tilespmem:$0x6430];
	v10 =	vadd.f32 v53, v10;
	v57 =	vperm.xlane v2, v55;
	v2 =	vperm.xlane v2, v14  }
0x47: {  	v62 =	vld [tilespmem:$0x6470];
	v4 =	vsub.f32 v52, v4;
	v12 =	vadd.f32 v51, v12;
	[tilespmem:$0x64C0] =	vst v3  }
0x48: {  	v61 =	vsub.f32 v54, v11;
	[tilespmem:$0x64E0] =	vst v1;
	v2 =	vadd.f32 v2, v8  }
0x49: {  	v10 =	vadd.f32 v57, v10;
	[tilespmem:$0x6490] =	vst v4;
	v12 =	vsub.f32 v50, v12  }
0x4a: {  	v5 =	vadd.f32 v5, v9;
	[tilespmem:$0x64A0] =	vst v61;
	v2 =	vsub.f32 v59, v2  }
0x4b: {  	v63 =	vsub.f32 v56, v10;
	[tilespmem:$0x6480] =	vst v12  }
0x4c: {  	s15 =	sadd.s32 $0x1, s15;
	[tilespmem:$0x64D0] =	vst v2;
	v2 =	vsub.f32 v62, v5  }
0x4d: {  	p0 =	sne.s32 s15, s7;
	[tilespmem:$0x64B0] =	vst v63  }
.Ltmp1:
0x4e: {  	[tilespmem:$0x64F0] =	vst v2;
	(pc) =	sbr.rel @p0 .LBB2_1-.Ltmp1, $4  }
0x4f: {  	[hbm4b:s6+s3] =	stream.linear.scatter [tilespmem:s14], [sflag:$0x2], $0x80, $0x38;
	[tilespmem:$0x6580] =	vst v63  }
0x50: {  	_ =	swait.ge [sflag:s9], $0x80  }
0x51: {  	[sflag:s9] =	ssyncset.done $0x0  }
0x52: {  	[sflag:s9] =	ssyncadd.s32 $0xFFFFFF80  }
0x53: {  	_ =	sfence.sel $0x180000  }
0x54: {  	[bflag:$0x0] =	sbarrier.arrive $0xFFFF  }
0x55: {  	p0 =	sne.s32 s1, $0x0;
	_ =	strace $0x90000047  }
0x56: {  	s0 =	sadd.s32 @!p0 $0x100000, s0;
	[bflag:$0x2] =	sbarrier.arrive $0xFFFF  }
0x57: {  	[sflag:s0] =	ssyncadd.tile.s32 @!p0 $0x1;
	_ =	shalt  }
.Lfunc_end2:
_tile_overlayer_lowered:
.L_overlay_start_2:
0x58: {  	(tag) =	ssettag $0x2  }
0x59: {  	s0 =	rddreg [dreg:$0x0];
	s2 =	stileid.u32  }
0x5a: {  	s1 =	rddreg [dreg:$0x1];
	p0 =	sne.s32 s2, $0x0  }
0x5b: {  	s3 =	rddreg [dreg:$0x2];
	[bflag:$0x3] =	sbarrier.arrive $0xFFFF;
	s2 =	simm.s32 @!p0 $0x1C02  }
0x5c: {  	[timem:s3], [sflag:s2] =	dma.local @!p0 [hbm:s0], s1  }
0x5d: {  	s0 =	simm.s32 @!p0 $0x2  }
0x5e: {  	_ =	swait.ge @!p0 [sflag:s0], s1  }
0x5f: {  	s1 =	ssub.s32 @!p0 $0x0, s1;
	[sflag:s0] =	ssyncset.done @!p0 $0x0  }
0x60: {  	[sflag:s0] =	ssyncadd.s32 @!p0 s1  }
0x61: {  	[bflag:$0x3] =	sbarrier.arrive $0xFFFF  }
0x62: {  	_ =	shalt  }

</sc_bundles>
